<compile_context>
chip_gen: v7x
topology: tpu7x:2x2x1
jax: 0.10.2.dev20260603
libtpu: 0.0.44.dev20260713+nightly
codegen_flags: <defaults>
</compile_context>

<pallas_src>
import jax
import jax.numpy as jnp
from jax.experimental import pallas as pl
from jax.experimental.pallas import tpu as pltpu

B, C, F = 4096, 62, 64
OUT = 64
R2, L = B * C // 2, 2 * F
BBB = 7936


def _body(x_ref, w2_ref, asrc_ref, adst_ref, bias_ref, bias2_ref, o_ref):
    hp = jnp.dot(x_ref[...], w2_ref[...],
                 preferred_element_type=jnp.float32)
    o_ref[...] = hp + bias2_ref[...]

    @pl.when(pl.program_id(0) == 0)
    def _attention():
        hp0 = hp[:32]
        hcat = jnp.concatenate([hp0[:, :F], hp0[:, F:]], axis=0)
        a_s = jnp.sum(hcat * asrc_ref[...], axis=1, keepdims=True)
        a_d = jnp.sum(hcat * adst_ref[...], axis=1, keepdims=True)
        e = a_s + a_d.reshape(1, 64)
        e = jnp.where(e >= 0, e, 0.2 * e)
        i_idx = jax.lax.broadcasted_iota(jnp.int32, (64, 64), 0)
        valid_i = (i_idx != 31) & (i_idx != 63)
        e = jnp.where(valid_i, e, -1e30)
        m = jnp.max(e, axis=0, keepdims=True)
        ex = jnp.where(valid_i, jnp.exp(e - m), 0.0)
        coef = ex / (jnp.sum(ex, axis=0, keepdims=True) + 1e-16)
        att = jax.lax.dot_general(
            coef, hcat, (((0,), (0,)), ((), ())),
            preferred_element_type=jnp.float32)
        j_idx = jax.lax.broadcasted_iota(jnp.int32, (64, 64), 0)
        valid_j = (j_idx != 31) & (j_idx != 63)
        res = jnp.where(valid_j, att, hcat) + bias_ref[...]
        o_ref[:32] = jnp.concatenate([res[:32], res[32:]], axis=1)


def kernel(x, W, att_src, att_dst, bias):
    x2 = x.reshape(R2, L)
    wt = W.T
    w2 = jnp.zeros((L, L), jnp.float32)
    w2 = w2.at[:F, :OUT].set(wt).at[F:, OUT:].set(wt)
    asrc = att_src.reshape(1, OUT)
    adst = att_dst.reshape(1, OUT)
    b1 = bias.reshape(1, OUT)
    b2 = jnp.concatenate([b1, b1], axis=1)
    out = pl.pallas_call(
        _body,
        grid=(R2 // BBB,),
        in_specs=[
            pl.BlockSpec((BBB, L), lambda i: (i, 0)),
            pl.BlockSpec((L, L), lambda i: (0, 0)),
            pl.BlockSpec((1, OUT), lambda i: (0, 0)),
            pl.BlockSpec((1, OUT), lambda i: (0, 0)),
            pl.BlockSpec((1, OUT), lambda i: (0, 0)),
            pl.BlockSpec((1, L), lambda i: (0, 0)),
        ],
        out_specs=pl.BlockSpec((BBB, L), lambda i: (i, 0)),
        out_shape=jax.ShapeDtypeStruct((R2, L), jnp.float32),
        compiler_params=pltpu.CompilerParams(
            dimension_semantics=("arbitrary",)),
    )(x2, w2, asrc, adst, b1, b2)
    return out.reshape(B, 1, C, F)

# --- scband reference (transcript-rebuilt; emitter-appended) ---
"""Pipeline reference for scband-eeg-gat-73521250173567 (READ-ONLY COPY).

The authoritative reference and input builder live on the scoring server;
editing this copy changes nothing except your own understanding.
"""

import jax, jax.numpy as jnp
import numpy as np

B, C, F = 4096, 62, 64
OUT = 64

def setup_inputs(seed: int = 0):
    key = jax.random.key(seed)
    ks = jax.random.split(key, 5)
    x = jax.random.normal(ks[0], (B, 1, C, F), dtype=jnp.float32)
    W = jax.random.normal(ks[1], (OUT, F), dtype=jnp.float32) * 0.06
    att_src = jax.random.normal(ks[2], (OUT,), dtype=jnp.float32) * 0.06
    att_dst = jax.random.normal(ks[3], (OUT,), dtype=jnp.float32) * 0.06
    bias = jnp.zeros((OUT,), dtype=jnp.float32)
    return {"x": x, "W": W, "att_src": att_src, "att_dst": att_dst, "bias": bias}

def reference(x, W, att_src, att_dst, bias):
    # EEG_GAT.forward: flatten (B,1,C,F) -> (B*C, F); build fully-connected
    # directed edges among the C channels (i != j), then PyG GATConv(heads=1)
    # which adds self-loops over ALL B*C nodes (faithful to original code,
    # where edge_index only covers the first C node ids).
    batch_size, _, num_channels, num_features = x.shape
    xf = x.reshape(batch_size * num_channels, num_features)
    N = batch_size * num_channels
    pairs = np.array([(i, j) for i in range(num_channels) for j in range(num_channels) if i != j], dtype=np.int64).T
    loop = jnp.arange(N, dtype=jnp.int64)
    src = jnp.concatenate([jnp.asarray(pairs[0]), loop])
    dst = jnp.concatenate([jnp.asarray(pairs[1]), loop])
    # GATConv: linear transform (no bias in lin), per-node attention logits
    h = xf @ W.T
    a_s = h @ att_src
    a_d = h @ att_dst
    e = jax.nn.leaky_relu(a_s[src] + a_d[dst], negative_slope=0.2)
    # softmax over incoming edges of each dst node
    m = jax.lax.stop_gradient(jax.ops.segment_max(e, dst, num_segments=N))
    ex = jnp.exp(e - m[dst])
    denom = jax.ops.segment_sum(ex, dst, num_segments=N)
    coef = ex / (denom[dst] + 1e-16)
    out = jax.ops.segment_sum(coef[:, None] * h[src], dst, num_segments=N) + bias
    out = out.reshape(batch_size, num_channels, -1)
    return out[:, None, :, :]

if __name__ == "__main__":
    import jax
    _d = setup_inputs()
    print(jax.jit(kernel)(*tuple(_d.values())))

</pallas_src>

<mosaic_0001>
module attributes {stable_mosaic.version = 14 : i64} {
  func.func @_body(%arg0: i32, %arg1: memref<7936x128xf32, #tpu.memory_space<vmem>>, %arg2: memref<128x128xf32, #tpu.memory_space<vmem>>, %arg3: memref<1x64xf32, #tpu.memory_space<vmem>>, %arg4: memref<1x64xf32, #tpu.memory_space<vmem>>, %arg5: memref<1x64xf32, #tpu.memory_space<vmem>>, %arg6: memref<1x128xf32, #tpu.memory_space<vmem>>, %arg7: memref<7936x128xf32, #tpu.memory_space<vmem>>) attributes {dimension_semantics = [#tpu.dimension_semantics<arbitrary>], iteration_bounds = array<i64: 16>, scalar_prefetch = 0 : i64, scratch_operands = 0 : i64, tpu.core_type = #tpu.core_type<tc>, window_params = [{transform_indices = @transform_0, window_bounds = array<i64: 7936, 128>}, {pipeline_mode = #tpu.pipeline_mode<synchronous>, transform_indices = @transform_1, window_bounds = array<i64: 128, 128>}, {pipeline_mode = #tpu.pipeline_mode<synchronous>, transform_indices = @transform_2, window_bounds = array<i64: 1, 64>}, {pipeline_mode = #tpu.pipeline_mode<synchronous>, transform_indices = @transform_3, window_bounds = array<i64: 1, 64>}, {pipeline_mode = #tpu.pipeline_mode<synchronous>, transform_indices = @transform_4, window_bounds = array<i64: 1, 64>}, {pipeline_mode = #tpu.pipeline_mode<synchronous>, transform_indices = @transform_5, window_bounds = array<i64: 1, 128>}, {transform_indices = @transform_6, window_bounds = array<i64: 7936, 128>}]} {
    %get3A = arith.constant 0 : index
    %get3A_0 = arith.constant 0 : index
    %get3A_1 = vector.load %arg1[%get3A, %get3A_0] : memref<7936x128xf32, #tpu.memory_space<vmem>>, vector<7936x128xf32>
    %get3A_2 = arith.constant 0 : index
    %get3A_3 = arith.constant 0 : index
    %get3A_4 = vector.load %arg2[%get3A_2, %get3A_3] : memref<128x128xf32, #tpu.memory_space<vmem>>, vector<128x128xf32>
    %dot_general3A = arith.constant dense<0.000000e+00> : vector<7936x128xf32>
    %dot_general3A_5 = tpu.matmul %get3A_1, %get3A_4, %dot_general3A {dimension_numbers = #tpu.dot_dimension_numbers<[1], [0], [0], [1], [0, 0, 1, 1], [], []>, transpose_lhs_hint = false} : vector<7936x128xf32>, vector<128x128xf32>, vector<7936x128xf32> -> vector<7936x128xf32>
    %get3A_6 = arith.constant 0 : index
    %get3A_7 = arith.constant 0 : index
    %get3A_8 = vector.load %arg6[%get3A_6, %get3A_7] : memref<1x128xf32, #tpu.memory_space<vmem>>, vector<1x128xf32>
    %add3A = vector.broadcast %get3A_8 : vector<1x128xf32> to vector<7936x128xf32>
    %add3A_9 = arith.addf %dot_general3A_5, %add3A : vector<7936x128xf32>
    %swap3A = arith.constant 0 : index
    %swap3A_10 = arith.constant 0 : index
    %swap3A_11 = vector.load %arg7[%swap3A, %swap3A_10] : memref<7936x128xf32, #tpu.memory_space<vmem>>, vector<7936x128xf32>
    tpu.vector_store %arg7[%swap3A, %swap3A_10], %add3A_9 {strides = array<i32>} : memref<7936x128xf32, #tpu.memory_space<vmem>>, vector<7936x128xf32>,
    %eq3A = arith.constant 0 : i32
    %eq3A_12 = arith.cmpi eq, %arg0, %eq3A : i32
    %convert_element_type3A = arith.extui %eq3A_12 : i1 to i32
    %cond3A = arith.constant 0 : i32
    %cond3A_13 = arith.cmpi ne, %convert_element_type3A, %cond3A : i32
    scf.if %cond3A_13 {
      %slice3A = vector.extract_strided_slice %dot_general3A_5 {offsets = [0, 0], sizes = [32, 128], strides = [1, 1]} : vector<7936x128xf32> to vector<32x128xf32>
      %slice3A_14 = vector.extract_strided_slice %slice3A {offsets = [0, 0], sizes = [32, 64], strides = [1, 1]} : vector<32x128xf32> to vector<32x64xf32>
      %slice3A_15 = vector.extract_strided_slice %slice3A {offsets = [0, 64], sizes = [32, 64], strides = [1, 1]} : vector<32x128xf32> to vector<32x64xf32>
      %concatenate3A = tpu.concatenate %slice3A_14, %slice3A_15 in 0 : vector<32x64xf32>, vector<32x64xf32> -> vector<64x64xf32>
      %get3A_16 = arith.constant 0 : index
      %get3A_17 = arith.constant 0 : index
      %get3A_18 = vector.load %arg3[%get3A_16, %get3A_17] : memref<1x64xf32, #tpu.memory_space<vmem>>, vector<1x64xf32>
      %mul3A = vector.broadcast %get3A_18 : vector<1x64xf32> to vector<64x64xf32>
      %mul3A_19 = arith.mulf %concatenate3A, %mul3A : vector<64x64xf32>
      %reduce_sum3A = arith.constant dense<0.000000e+00> : vector<64xf32>
      %reduce_sum3A_20 = vector.multi_reduction <add>, %mul3A_19, %reduce_sum3A [1] : vector<64x64xf32> to vector<64xf32>
      %broadcast_in_dim3A = vector.shape_cast %reduce_sum3A_20 : vector<64xf32> to vector<64x1xf32>
      %get3A_21 = arith.constant 0 : index
      %get3A_22 = arith.constant 0 : index
      %get3A_23 = vector.load %arg4[%get3A_21, %get3A_22] : memref<1x64xf32, #tpu.memory_space<vmem>>, vector<1x64xf32>
      %mul3A_24 = vector.broadcast %get3A_23 : vector<1x64xf32> to vector<64x64xf32>
      %mul3A_25 = arith.mulf %concatenate3A, %mul3A_24 : vector<64x64xf32>
      %reduce_sum3A_26 = arith.constant dense<0.000000e+00> : vector<64xf32>
      %reduce_sum3A_27 = vector.multi_reduction <add>, %mul3A_25, %reduce_sum3A_26 [1] : vector<64x64xf32> to vector<64xf32>
      %broadcast_in_dim3A_28 = vector.shape_cast %reduce_sum3A_27 : vector<64xf32> to vector<64x1xf32>
      %reshape3A = vector.shape_cast %broadcast_in_dim3A_28 : vector<64x1xf32> to vector<1x64xf32>
      %add3A_29 = vector.broadcast %broadcast_in_dim3A : vector<64x1xf32> to vector<64x64xf32>
      %add3A_30 = vector.broadcast %reshape3A : vector<1x64xf32> to vector<64x64xf32>
      %add3A_31 = arith.addf %add3A_29, %add3A_30 : vector<64x64xf32>
      %ge3A = arith.constant 0.000000e+00 : f32
      %ge3A_32 = vector.broadcast %ge3A : f32 to vector<64x64xf32>
      %ge3A_33 = arith.cmpf oge, %add3A_31, %ge3A_32 : vector<64x64xf32>
      %mul3A_34 = arith.constant 2.000000e-01 : f32
      %mul3A_35 = vector.broadcast %mul3A_34 : f32 to vector<64x64xf32>
      %mul3A_36 = arith.mulf %mul3A_35, %add3A_31 : vector<64x64xf32>
      %select_n3A = arith.select %ge3A_33, %add3A_31, %mul3A_36 : vector<64x64xi1>, vector<64x64xf32>
      %iota3A = tpu.iota {dimensions = array<i32: 0>} : vector<64x64xi32>
      %ne3A = arith.constant 31 : i32
      %ne3A_37 = vector.broadcast %ne3A : i32 to vector<64x64xi32>
      %ne3A_38 = arith.cmpi ne, %iota3A, %ne3A_37 : vector<64x64xi32>
      %ne3A_39 = arith.constant 63 : i32
      %ne3A_40 = vector.broadcast %ne3A_39 : i32 to vector<64x64xi32>
      %ne3A_41 = arith.cmpi ne, %iota3A, %ne3A_40 : vector<64x64xi32>
      %and3A = arith.andi %ne3A_38, %ne3A_41 : vector<64x64xi1>
      %jit3A = arith.constant -1.000000e+30 : f32
      %broadcast_in_dim3A_42 = vector.broadcast %jit3A : f32 to vector<64x64xf32>
      %select_n3A_43 = arith.select %and3A, %select_n3A, %broadcast_in_dim3A_42 : vector<64x64xi1>, vector<64x64xf32>
      %reduce_max3A = arith.constant dense<0xFF800000> : vector<64xf32>
      %reduce_max3A_44 = vector.multi_reduction <maximumf>, %select_n3A_43, %reduce_max3A [0] : vector<64x64xf32> to vector<64xf32>
      %broadcast_in_dim3A_45 = vector.shape_cast %reduce_max3A_44 : vector<64xf32> to vector<1x64xf32>
      %sub3A = vector.broadcast %broadcast_in_dim3A_45 : vector<1x64xf32> to vector<64x64xf32>
      %sub3A_46 = arith.subf %select_n3A_43, %sub3A : vector<64x64xf32>
      %exp3A = math.exp %sub3A_46 : vector<64x64xf32>
      %jit3A_47 = arith.constant 0.000000e+00 : f32
      %broadcast_in_dim3A_48 = vector.broadcast %jit3A_47 : f32 to vector<64x64xf32>
      %select_n3A_49 = arith.select %and3A, %exp3A, %broadcast_in_dim3A_48 : vector<64x64xi1>, vector<64x64xf32>
      %reduce_sum3A_50 = arith.constant dense<0.000000e+00> : vector<64xf32>
      %reduce_sum3A_51 = vector.multi_reduction <add>, %select_n3A_49, %reduce_sum3A_50 [0] : vector<64x64xf32> to vector<64xf32>
      %broadcast_in_dim3A_52 = vector.shape_cast %reduce_sum3A_51 : vector<64xf32> to vector<1x64xf32>
      %add3A_53 = arith.constant 1.000000e-16 : f32
      %add3A_54 = vector.broadcast %add3A_53 : f32 to vector<1x64xf32>
      %add3A_55 = arith.addf %broadcast_in_dim3A_52, %add3A_54 : vector<1x64xf32>
      %div3A = vector.broadcast %add3A_55 : vector<1x64xf32> to vector<64x64xf32>
      %div3A_56 = arith.divf %select_n3A_49, %div3A : vector<64x64xf32>
      %dot_general3A_57 = arith.constant dense<0.000000e+00> : vector<64x64xf32>
      %dot_general3A_58 = tpu.matmul %div3A_56, %concatenate3A, %dot_general3A_57 {dimension_numbers = #tpu.dot_dimension_numbers<[0], [0], [1], [1], [0, 1, 1, 1], [], []>, transpose_lhs_hint = false} : vector<64x64xf32>, vector<64x64xf32>, vector<64x64xf32> -> vector<64x64xf32>
      %iota3A_59 = tpu.iota {dimensions = array<i32: 0>} : vector<64x64xi32>
      %ne3A_60 = arith.constant 31 : i32
      %ne3A_61 = vector.broadcast %ne3A_60 : i32 to vector<64x64xi32>
      %ne3A_62 = arith.cmpi ne, %iota3A_59, %ne3A_61 : vector<64x64xi32>
      %ne3A_63 = arith.constant 63 : i32
      %ne3A_64 = vector.broadcast %ne3A_63 : i32 to vector<64x64xi32>
      %ne3A_65 = arith.cmpi ne, %iota3A_59, %ne3A_64 : vector<64x64xi32>
      %and3A_66 = arith.andi %ne3A_62, %ne3A_65 : vector<64x64xi1>
      %select_n3A_67 = arith.select %and3A_66, %dot_general3A_58, %concatenate3A : vector<64x64xi1>, vector<64x64xf32>
      %get3A_68 = arith.constant 0 : index
      %get3A_69 = arith.constant 0 : index
      %get3A_70 = vector.load %arg5[%get3A_68, %get3A_69] : memref<1x64xf32, #tpu.memory_space<vmem>>, vector<1x64xf32>
      %add3A_71 = vector.broadcast %get3A_70 : vector<1x64xf32> to vector<64x64xf32>
      %add3A_72 = arith.addf %select_n3A_67, %add3A_71 : vector<64x64xf32>
      %slice3A_73 = vector.extract_strided_slice %add3A_72 {offsets = [0, 0], sizes = [32, 64], strides = [1, 1]} : vector<64x64xf32> to vector<32x64xf32>
      %slice3A_74 = vector.extract_strided_slice %add3A_72 {offsets = [32, 0], sizes = [32, 64], strides = [1, 1]} : vector<64x64xf32> to vector<32x64xf32>
      %concatenate3A_75 = tpu.concatenate %slice3A_73, %slice3A_74 in 1 : vector<32x64xf32>, vector<32x64xf32> -> vector<32x128xf32>
      %swap3A_76 = arith.constant 0 : index
      %swap3A_77 = arith.constant 0 : index
      %swap3A_78 = vector.load %arg7[%swap3A_76, %swap3A_77] : memref<7936x128xf32, #tpu.memory_space<vmem>>, vector<32x128xf32>
      tpu.vector_store %arg7[%swap3A_76, %swap3A_77], %concatenate3A_75 {strides = array<i32>} : memref<7936x128xf32, #tpu.memory_space<vmem>>, vector<32x128xf32>,
    } else {
    }
    return
  }
  func.func @transform_0(%arg0: i32) -> (i32, i32) {
    %c0_i32 = arith.constant 0 : i32
    %c0_i32_0 = arith.constant 0 : i32
    return %arg0, %c0_i32 : i32, i32
  }
  func.func @transform_1(%arg0: i32) -> (i32, i32) {
    %c0_i32 = arith.constant 0 : i32
    %c0_i32_0 = arith.constant 0 : i32
    %c0_i32_1 = arith.constant 0 : i32
    return %c0_i32, %c0_i32_0 : i32, i32
  }
  func.func @transform_2(%arg0: i32) -> (i32, i32) {
    %c0_i32 = arith.constant 0 : i32
    %c0_i32_0 = arith.constant 0 : i32
    %c0_i32_1 = arith.constant 0 : i32
    return %c0_i32, %c0_i32_0 : i32, i32
  }
  func.func @transform_3(%arg0: i32) -> (i32, i32) {
    %c0_i32 = arith.constant 0 : i32
    %c0_i32_0 = arith.constant 0 : i32
    %c0_i32_1 = arith.constant 0 : i32
    return %c0_i32, %c0_i32_0 : i32, i32
  }
  func.func @transform_4(%arg0: i32) -> (i32, i32) {
    %c0_i32 = arith.constant 0 : i32
    %c0_i32_0 = arith.constant 0 : i32
    %c0_i32_1 = arith.constant 0 : i32
    return %c0_i32, %c0_i32_0 : i32, i32
  }
  func.func @transform_5(%arg0: i32) -> (i32, i32) {
    %c0_i32 = arith.constant 0 : i32
    %c0_i32_0 = arith.constant 0 : i32
    %c0_i32_1 = arith.constant 0 : i32
    return %c0_i32, %c0_i32_0 : i32, i32
  }
  func.func @transform_6(%arg0: i32) -> (i32, i32) {
    %c0_i32 = arith.constant 0 : i32
    %c0_i32_0 = arith.constant 0 : i32
    return %arg0, %c0_i32 : i32, i32
  }
}

</mosaic_0001>

<sc_bundles>
// kernel: sparse-core-data-format-call.cloned.1.call-start
scs
called_computation_lowered:
.L_overlay_start_0:
0x0: {  	s2 =	sld [smem:$0x3FD9]  }
0x1: {  	s3 =	sld [smem:$0x3FFE];
	_ =	sdelay $0x1  }
0x2: {  	s1 =	srdreg.scid  }
0x3: {  	s0 =	sand.u32 $0x1, s1  }
0x4: {  	s18 =	sshll.u32 s0, $0xA;
	s2 =	sadd.s32 s3, s2  }
0x5: {  	s2 =	sadd.s32 s2, s18  }
0x6: {  	[smem:$0x3FC3] =	sst s2  }
0x7: {  	_ = 	snop  }
0x8: {  	s2 =	sld [smem:$0x3FD0];
	(tm) =	ssettm $0x1  }
0x9: {  	s19 =	sld [smem:$0x3FFB];
	_ =	sdelay $0x3  }
0xa: {  	_ =	strace s19  }
0xb: {  	s3 =	sld [smem:$0x3FFC];
	_ =	sdelay $0x3  }
0xc: {  	_ =	strace s3  }
0xd: {  	s3 =	sld [smem:$0x3FFD];
	_ =	sdelay $0x3  }
0xe: {  	_ =	strace s3  }
0xf: {  	_ =	strace $0x8FFFFFFF  }
0x10: {  	s20 =	sld [smem:$0x3FDB];
	_ =	sdelay $0x1  }
0x11: {  	s4 =	simm.s32 $_scs_section_size  }
0x12: {  	s5 =	simm.s32 $_size__tile_overlayer_lowered;
	s6 =	simm.s32 $_tile_overlayer_lowered  }
0x13: {  	s23 =	simm.s32 $0x1BFF;
	s22 =	sshll.u32 s6, $0x1;
	s3 =	sadd.s32 s4, s20  }
0x14: {  	s7 =	simm.s32 $0x0;
	s21 =	sshll.u32 s5, $0x1;
	s5 =	sadd.s32 s22, s3  }
0x15: {  	[timem:s7], [sflag:s23] =	dma.local [hbm:s5], s21  }
0x16: {  	_ =	swait.ge [sflag:s23], s21  }
0x17: {  	s4 =	ssub.s32 $0x0, s21;
	[sflag:s23] =	ssyncset.done $0x0  }
0x18: {  	[sflag:s23] =	ssyncadd.s32 s4;
	_ =	sdelay $0x1  }
0x19: {  	s24 =	simm.s32 $0x1B8B  }
0x1a: {  	_ =	swait.ge [sflag:s24], $0x1  }
0x1b: {  	[sflag:s24] =	ssyncset.done $0x0  }
0x1c: {  	s26 =	simm.s32 $0x1B8E;
	s25 =	sld [smem:$0x3FFE];
	[sflag:s24] =	ssyncadd.s32 $0xFFFFFFFF  }
0x1d: {  	s27 =	simm.s32 $execute0_lowered;
	[smem:$0x3FD2] =	sst s26  }
0x1e: {  	s5 =	sshll.u32 s27, $0x1;
	_ =	strace $0x80000046;
	[dreg:$0x1] =	wrdreg $0xFFFFFFFF  }
0x1f: {  	s28 =	simm.s32 $_size_execute0_lowered;
	s3 =	sadd.s32 s3, s5;
	[dreg:$0x0] =	wrdreg $0x0  }
0x20: {  	s5 =	sshll.u32 s28, $0x1;
	[dreg:$0x2] =	wrdreg s3  }
0x21: {  	[dreg:$0x3] =	wrdreg s5  }
0x22: {  	[dreg:$0x4] =	wrdreg $0xC0  }
0x23: {  	_ =	task [dreg:s7], $0x5FFFF  }
0x24: {  	[dreg:$0x1] =	wrdreg $0xFFFFFFFF  }
0x25: {  	[dreg:$0x0] =	wrdreg $0x60  }
0x26: {  	[dreg:$0x2] =	wrdreg s25  }
0x27: {  	[dreg:$0x3] =	wrdreg s2  }
0x28: {  	[dreg:$0x4] =	wrdreg $0x9  }
0x29: {  	_ =	task.clear_ibuf [dreg:s7], $0x5FFFF;
	_ =	strace $0x90000046  }
0x2a: {  	s29 =	simm.s32 $0x9;
	_ =	strace $0x80000048  }
0x2b: {  	_ =	swait.ge [sflag:s29], $0x1  }
0x2c: {  	[sflag:s29] =	ssyncadd.s32 $0xFFFFFFFF  }
0x2d: {  	_ =	strace $0x90000048  }
0x2e: {  	_ =	sfence  }
0x2f: {  	s30 =	sld [smem:$0x0];
	_ =	sdelay $0x2  }
0x30: {  	s31 =	sshll.u32 s1, $0xD;
	s1 =	sshrl.u32 s1, $0x2  }
0x31: {  	s3 =	sand.u32 $0x4000, s31;
	s1 =	sadd.s32 s1, s30  }
0x32: {  	s0 =	sor.u32 s3, s0;
	s1 =	sshll.u32 s1, $0x11  }
0x33: {  	s0 =	sor.u32 s1, s0  }
0x34: {  	s0 =	sadd.s32 $0x8F2B, s0  }
0x35: {  	[sflag:s0] =	ssyncadd.remote.s32 $0x1  }
0x36: {  	_ =	sfence.sel $0xFFFF  }
0x37: {  	[dreg:$0x0] =	wrdreg $0xFFFFFFFF;
	(pc) =	sbr.abs _section_cstart, $3  }
0x38: {  	[dreg:$0x1] =	wrdreg $0xFFFFFFFF  }
0x39: {  	_ =	task.clear_ibuf [dreg:s7], $0x2FFFF;
	_ =	strace $0x9FFFFFFF  }
0x3a: {  	(tm) =	ssettm $0x7FFFFFFF  }
0x3b: {  	_ =	shalt  }
tec
execute0_lowered:
.L_overlay_start_1:
0x0: {  	(tag) =	ssettag $0x1  }
0x1: {  	s0 =	srdreg.scid  }
0x2: {  	s1 =	sshll.u32 s0, $0x4  }
0x3: {  	s0 =	stileid.u32;
	s1 =	sand.u32 $0x10, s1  }
0x4: {  	s1 =	sor.u32 s0, s1  }
0x5: {  	s6 =	rddreg [dreg:$0x0];
	s4 =	simm.s32 $0x1;
	s2 =	sshll.u32 s1, $0x7  }
0x6: {  	s7 =	simm.s32 $0x2;
	s12 =	simm.s32 $0x0;
	s1 =	ssub.s32 $0x1000, s2  }
0x7: {  	s8 =	simm.s32 $0x8000;
	s13 =	simm.s32 $0x0;
	s3 =	sand.u32 $0xF80, s1  }
0x8: {  	s9 =	simm.s32 $0x0;
	s5 =	sshrl.u32 s1, $0xC;
	p0 =	sne.s32 s3, $0x0  }
.Ltmp0:
0x9: {  	s1 =	rddreg [dreg:$0x2];
	s4 =	simm.s32 @!p0 $0x0;
	(pc) =	sbr.rel .LBB1_1-.Ltmp0, $4  }
0xa: {  	s11 =	simm.s32 $0x0;
	s3 =	rddreg [dreg:$0x1];
	s5 =	sadd.s32 s4, s5  }
0xb: {  	_ =	strace $0x80000047;
	s4 =	simm.s32 $0x1;
	s5 =	smul.u32 $0x3E, s5  }
0xc: {  	s6 =	sadd.s32 $0x1F0C00, s6;
	s10 =	smov.u32 s2;
	[sflag:s4] =	ssyncpa.u1 $0x0  }
0xd: {  	p0 =	por $0x0, $0x0;
	[sflag:s7] =	ssyncpa.u1 $0x0;
	s7 =	sor.u32 $0x1, s5  }
.LBB1_4:
0xe: {  	s16 =	sshll.u32 s13, $0x3;
	s17 =	sand.u32 $0x78, s13  }
0xf: {  	s30 =	sand.u32 $0x7E00, s13;
	s12 =	sshll.u32 s12, $0xF;
	s16 =	sand.u32 $0xC00, s16  }
0x10: {  	[tilespmem:s15+$0x810 ss:$0x81] =	vst.msk $0xffff, v2;
	s31 =	sand.u32 $0x7, s13;
	s16 =	sor.u32 s17, s16;
	s17 =	sadd.s32 s3, s30  }
0x11: {  	[tilespmem:s15+$0x1020 ss:$0x81] =	vst.msk $0xffff, v0;
	s13 =	sshll.u32 s31, $0x12;
	s12 =	sadd.s32 s12, s17;
	s16 =	sshrl.u32 s16, $0x3  }
0x12: {  	[tilespmem:s15+$0x0 ss:$0x81] =	vst.msk $0xffff, v1;
	s13 =	sor.u32 $0x400, s13;
	s12 =	sadd.s32 s16, s12  }
0x13: {  	[hbm4b:s12+s13] =	stream.strided.scatter [tilespmem:s14], [sflag:$0x2], $0x2000, s8, s13, $0x20;
	[tilespmem:$0x8080] =	vst v63  }
.LBB1_5:
0x14: {  	s14 =	sadd.s32 $0x1, s9  }
0x15: {  	s12 =	sadd.s32 $0x1000, s10;
	s16 =	smov.u32 s10;
	p2 =	sgt.s32 s14, $0x3D  }
0x16: {  	s16 =	smov.u32 @p2 s12  }
0x17: {  	s14 =	simm.s32 @p2 $0x0;
	p2 =	sgt.s32 s16, $0xFFF  }
0x18: {  	s16 =	smov.u32 @p2 s2;
	p2 =	sne.s32 s11, s7  }
.Ltmp1:
0x19: {  	p1 =	slt.u32 s11, $0x2;
	(pc) =	sbr.rel @!p2 .LBB1_6-.Ltmp1, $4  }
0x1a: {  	s15 =	simm.s32 @!p1 $0x2  }
0x1b: {  	s13 =	smov.u32 s10;
	p0 =	por !p0, !p0;
	_ =	swait.ge @!p1 [sflag:s15], $0x2000  }
0x1c: {  	s12 =	smov.u32 s9;
	[sflag:s15] =	ssyncset.done @!p1 $0x0;
	s9 =	smov.u32 s14  }
0x1d: {  	s11 =	sadd.s32 $0x1, s11;
	[sflag:s15] =	ssyncadd.s32 @!p1 $0xFFFFE000;
	s10 =	smov.u32 s16  }
.LBB1_1:
0x1e: {  	p1 =	sge.u32 s11, s5  }
0x1f: {  	s31 =	sadd.s32 $0xFFFFFFFF, s11;
	s14 =	sxor.u32 @!p1 $0xFFFFFFFF, s11  }
0x20: {  	s15 =	sshll.u32 @!p1 s10, $0xA;
	s16 =	sshll.u32 @!p1 s9, $0x4;
	s17 =	simm.s32 @!p1 $0x2000  }
0x21: {  	s14 =	sshll.u32 @!p1 s14, $0xD;
	s16 =	sand.u32 @!p1 $0x3F0, s16;
	s15 =	sadd.s32 @!p1 s6, s15  }
0x22: {  	s14 =	sand.u32 @!p1 $0x2000, s14;
	s15 =	sadd.s32 @!p1 s16, s15;
	s16 =	simm.s32 @!p1 $0x40  }
0x23: {  	[tilespmem:s14], [sflag:$0x1] =	stream.strided.gather @!p1 [hbm4b:s15+s16], $0x2000, s17, s16, $0x38;
	[tilespmem:$0x8080] =	vst v63  }
0x24: {  	p1 =	sge.u32 s31, s5  }
.Ltmp2:
0x25: {  	_ = 	snop;
	(pc) =	sbr.rel @p1 .LBB1_5-.Ltmp2, $1  }
0x26: {  	_ =	sdelay $0x3  }
0x27: {  	s14 =	simm.s32 $0x1  }
0x28: {  	_ =	swait.ge [sflag:s4], $0x2000;
	s14 =	simm.s32 @!p0 $0x0  }
0x29: {  	[sflag:s4] =	ssyncset.done $0x0;
	s15 =	sshll.u32 s14, $0xD  }
0x2a: {  	[sflag:s4] =	ssyncadd.s32 $0xFFFFE000;
	s18 =	sor.u32 $0x20, s15  }
0x2b: {  	s14 =	smul.u32 $0x8100, s14;
	v3 =	vld [tilespmem:s18+$0x10]  }
0x2c: {  	s30 =	sand.u32 $0x1, s11;
	v2 =	vld [tilespmem:s18+$0xFFFFFFF0]  }
0x2d: {  	s15 =	smul.u32 $0x8100, s30;
	s14 =	sshrl.u32 s14, $0x2;
	v0 =	vld [tilespmem:s18+$0x0]  }
0x2e: {  	v1 =	vld [tilespmem:s18+$0xFFFFFFE0];
	s16 =	sor.u32 $0x4000, s14  }
0x2f: {  	s31 =	sshrl.u32 s15, $0x2;
	s15 =	sadd.s32 $0x0, s16  }
0x30: {  	s17 =	simm.s32 $0x4;
	s18 =	sadd.s32 $0x40, s18;
	s14 =	sor.u32 $0x4000, s31;
	[tilespmem:s15+$0x1830 ss:$0x81] =	vst.msk $0xffff, v3  }
.LBB1_3:
0x31: {  	v3 =	vld [tilespmem:s18+$0x10];
	p1 =	sne.s32 s17, $0x1FC;
	[tilespmem:s15+$0x810 ss:$0x81] =	vst.msk $0xffff, v2;
	s19 =	smov.u32 s17;
	s17 =	sadd.s32 $0x4, s17  }
.Ltmp3:
0x32: {  	v2 =	vld [tilespmem:s18+$0xFFFFFFF0];
	[tilespmem:s15+$0x1020 ss:$0x81] =	vst.msk $0xffff, v0;
	(pc) =	sbr.rel @p1 .LBB1_3-.Ltmp3, $4  }
0x33: {  	v0 =	vld [tilespmem:s18+$0x0];
	[tilespmem:s15+$0x0 ss:$0x81] =	vst.msk $0xffff, v1  }
0x34: {  	s15 =	sshra.s32 s19, $0x2;
	v1 =	vld [tilespmem:s18+$0xFFFFFFE0]  }
0x35: {  	s15 =	sadd.s32 s15, s16  }
0x36: {  	s18 =	sadd.s32 $0x40, s18;
	[tilespmem:s15+$0x1830 ss:$0x81] =	vst.msk $0xffff, v3  }
.Ltmp4:
0x37: {  	_ = 	snop;
	(pc) =	sbr.rel .LBB1_4-.Ltmp4, $1  }
0x38: {  	_ =	sdelay $0x3  }
.LBB1_6:
0x39: {  	_ =	sfence.sel $0x180000  }
0x3a: {  	s2 =	simm.s32 $0x1;
	[bflag:$0x0] =	sbarrier.arrive $0xFFFF  }
0x3b: {  	s31 =	simm.s32 $0x2;
	[sflag:s2] =	ssyncpa.u1 $0x1  }
0x3c: {  	[sflag:s31] =	ssyncpa.u1 $0x1  }
0x3d: {  	p0 =	sne.s32 s0, $0x0;
	_ =	strace $0x90000047  }
0x3e: {  	s0 =	sadd.s32 @!p0 $0x100000, s1;
	[bflag:$0x2] =	sbarrier.arrive $0xFFFF  }
0x3f: {  	[sflag:s0] =	ssyncadd.tile.s32 @!p0 $0x1;
	_ =	shalt  }
.Lfunc_end1:
_tile_overlayer_lowered:
.L_overlay_start_2:
0x40: {  	(tag) =	ssettag $0x2  }
0x41: {  	s0 =	rddreg [dreg:$0x0];
	s2 =	stileid.u32  }
0x42: {  	s1 =	rddreg [dreg:$0x1];
	p0 =	sne.s32 s2, $0x0  }
0x43: {  	s3 =	rddreg [dreg:$0x2];
	[bflag:$0x3] =	sbarrier.arrive $0xFFFF;
	s2 =	simm.s32 @!p0 $0x1C01  }
0x44: {  	[timem:s3], [sflag:s2] =	dma.local @!p0 [hbm:s0], s1  }
0x45: {  	s0 =	simm.s32 @!p0 $0x1  }
0x46: {  	_ =	swait.ge @!p0 [sflag:s0], s1  }
0x47: {  	s1 =	ssub.s32 @!p0 $0x0, s1;
	[sflag:s0] =	ssyncset.done @!p0 $0x0  }
0x48: {  	[sflag:s0] =	ssyncadd.s32 @!p0 s1  }
0x49: {  	[bflag:$0x3] =	sbarrier.arrive $0xFFFF  }
0x4a: {  	_ =	shalt  }

</sc_bundles>
